<compile_context>
chip_gen: v7x
topology: tpu7x:2x2x1
jax: 0.10.2.dev20260603
libtpu: 0.0.44.dev20260713+nightly
codegen_flags: <defaults>
</compile_context>

<pallas_src>
import functools

import jax
import jax.numpy as jnp
from jax import lax
from jax.experimental import pallas as pl
from jax.experimental.pallas import tpu as pltpu
from jax.experimental.pallas import tpu_sc as plsc

NC, NS = 2, 16
NW = NC * NS
CH = 100
L = 16
NB = 2

_TAKE_DNUMS = lax.GatherDimensionNumbers(
    offset_dims=(), collapsed_slice_dims=(0,), start_index_map=(0,))


def _permute(t, idx):
    return lax.gather(t, idx[:, None], _TAKE_DNUMS, slice_sizes=(1,),
                      mode=lax.GatherScatterMode.PROMISE_IN_BOUNDS)


def _sc_gemv(embed, idx2d, weight, bias1d, B, S, D):
    EPW = B // NW
    CPW = (B * S) // (CH * NW)
    CPE = S // CH
    KD = D // L

    mesh = plsc.VectorSubcoreMesh(core_axis_name="c", subcore_axis_name="s")

    @functools.partial(
        pl.kernel,
        out_type=jax.ShapeDtypeStruct((B, CPE, CH), jnp.float32),
        mesh=mesh,
        scratch_types=[
            pltpu.VMEM((CPW, CH), jnp.int32),
            pltpu.VMEM((EPW, D), jnp.float32),
            pltpu.VMEM((NB, CH, D), jnp.float32),
            pltpu.VMEM((NB, CH), jnp.float32),
            pltpu.VMEM((EPW, CPE, CH), jnp.float32),
            pltpu.SemaphoreType.DMA,
            pltpu.SemaphoreType.DMA,
            pltpu.SemaphoreType.DMA,
            pltpu.SemaphoreType.DMA,
        ],
    )
    def run(emb_hbm, idx_hbm, w_hbm, b_hbm, out_hbm,
            idx_v, emb_v, rows_v, biasg_v, out_v,
            sem_r0, sem_r1, sem_b0, sem_b1):
        wid = lax.axis_index("s") * NC + lax.axis_index("c")
        sems_r = (sem_r0, sem_r1)
        sems_b = (sem_b0, sem_b1)

        pltpu.sync_copy(idx_hbm.at[pl.ds(wid * CPW, CPW)], idx_v)
        pltpu.sync_copy(emb_hbm.at[pl.ds(wid * EPW, EPW)], emb_v)

        def rows_copy(c, slot):
            return pltpu.make_async_copy(
                w_hbm.at[idx_v.at[c]], rows_v.at[slot], sems_r[slot])

        def bias_copy(c, slot):
            return pltpu.make_async_copy(
                b_hbm.at[idx_v.at[c]], biasg_v.at[slot], sems_b[slot])

        def start(c, slot):
            rows_copy(c, slot).start()
            bias_copy(c, slot).start()

        lanes = lax.iota(jnp.int32, L)

        def compute(c, slot):
            e = c // CPE
            h = c % CPE
            ev = [emb_v[e, pl.ds(L * k, L)] for k in range(KD)]

            def entry_dot(s):
                acc = rows_v[slot, s, pl.ds(0, L)] * ev[0]
                for k in range(1, KD):
                    acc = acc + rows_v[slot, s, pl.ds(L * k, L)] * ev[k]
                return acc

            def combine(ts, d):
                while len(ts) > 1:
                    m = (lanes & d) == 0
                    ts = [jnp.where(m, a, b) +
                          _permute(jnp.where(m, b, a), lanes ^ d)
                          for a, b in zip(ts[0::2], ts[1::2])]
                    d *= 2
                return ts[0], d

            def group(off):
                ts, _ = combine([entry_dot(off + j) for j in range(L)], 1)
                out_v[e, h, pl.ds(off, L)] = ts + biasg_v[slot, pl.ds(off, L)]

            def gbody(g, carry):
                group(g * L)
                return carry

            lax.fori_loop(0, CH // L, gbody, 0)

            NT = CH - (CH // L) * L
            if NT:
                v, d = combine([entry_dot(CH - NT + j) for j in range(NT)], 1)
                while d < L:
                    v = v + _permute(v, lanes ^ d)
                    d *= 2
                prev = out_v[e, h, pl.ds(CH - L, L)]
                out_v[e, h, pl.ds(CH - L, L)] = jnp.where(
                    lanes < L - NT, prev,
                    v + biasg_v[slot, pl.ds(CH - L, L)])

        for b in range(NB):
            start(b, b)

        def outer(g, carry):
            for b in range(NB):
                c = NB * g + b
                rows_copy(c, b).wait()
                bias_copy(c, b).wait()

                @pl.when(c + NB < CPW)
                def _():
                    start(c + NB, b)
            return carry

        lax.fori_loop(0, CPW // NB, outer, 0)

        pltpu.sync_copy(out_v, out_hbm.at[pl.ds(wid * EPW, EPW)])

    return run(embed, idx2d, weight, bias1d)


def kernel(embed, shortlist, weight, bias):
    B, D = embed.shape
    S = shortlist.shape[1]
    idx2d = shortlist.astype(jnp.int32).reshape(B * S // CH, CH)
    bias1d = bias.T.reshape(bias.shape[0])
    return _sc_gemv(embed, idx2d, weight, bias1d, B, S, D).reshape(B, S)

# --- scband reference (transcript-rebuilt; emitter-appended) ---
"""Pipeline reference for scband-sparse-linear-43379169690256 (READ-ONLY COPY).

The authoritative reference and input builder live on the scoring server;
editing this copy changes nothing except your own understanding.
"""

import jax, jax.numpy as jnp
import numpy as np

B, S, D, V = 4096, 200, 128, 1000000

def setup_inputs(seed: int = 0) -> dict:
    key = jax.random.key(seed)
    k1, k2, k3, k4 = jax.random.split(key, 4)
    embed = jax.random.normal(k1, (B, D), dtype=jnp.float32)
    shortlist = jax.random.randint(k2, (B, S), 0, V, dtype=jnp.int64)
    stdv = 1.0 / np.sqrt(D)
    weight = jax.random.uniform(k3, (V, D), minval=-stdv, maxval=stdv, dtype=jnp.float32)
    bias = jax.random.uniform(k4, (V, 1), minval=-stdv, maxval=stdv, dtype=jnp.float32)
    return {"embed": embed, "shortlist": shortlist, "weight": weight, "bias": bias}

def reference(embed, shortlist, weight, bias):
    # F.embedding(shortlist, weight) -> gather rows: [B, S, D]
    short_weights = jnp.take(weight, shortlist, axis=0)
    # embed.unsqueeze(1) @ short_weights.permute(0,2,1): [B,1,D] @ [B,D,S] -> [B,1,S]
    out = jnp.matmul(embed[:, None, :], jnp.transpose(short_weights, (0, 2, 1)))
    # F.embedding(shortlist, bias) -> [B, S, 1]; permute -> [B, 1, S]
    short_bias = jnp.take(bias, shortlist, axis=0)
    out = out + jnp.transpose(short_bias, (0, 2, 1))
    # torch .squeeze() removes all size-1 dims -> [B, S]
    return jnp.squeeze(out)

if __name__ == "__main__":
    import jax
    _d = setup_inputs()
    print(jax.jit(kernel)(*tuple(_d.values())))

</pallas_src>

<mosaic_0001>
#map = affine_map<(d0, d1) -> (0, 0)>
#map1 = affine_map<(d0, d1) -> (0)>
#map2 = affine_map<(d0, d1) -> (0, 0, 0)>
module attributes {stable_mosaic.version = 14 : i64} {
  func.func @run(%arg0: i32, %arg1: i32, %arg2: memref<4096x128xf32, #tpu.memory_space<hbm>>, %arg3: memref<8192x100xi32, #tpu.memory_space<hbm>>, %arg4: memref<1000000x128xf32, #tpu.memory_space<hbm>>, %arg5: memref<1000000xf32, #tpu.memory_space<hbm>>, %arg6: memref<4096x2x100xf32, #tpu.memory_space<hbm>>, %arg7: memref<256x100xi32, #tpu.memory_space<vmem>>, %arg8: memref<128x128xf32, #tpu.memory_space<vmem>>, %arg9: memref<2x100x128xf32, #tpu.memory_space<vmem>>, %arg10: memref<2x100xf32, #tpu.memory_space<vmem>>, %arg11: memref<128x2x100xf32, #tpu.memory_space<vmem>>, %arg12: memref<!tpu.dma_semaphore, #tpu.memory_space<semaphore_mem>>, %arg13: memref<!tpu.dma_semaphore, #tpu.memory_space<semaphore_mem>>, %arg14: memref<!tpu.dma_semaphore, #tpu.memory_space<semaphore_mem>>, %arg15: memref<!tpu.dma_semaphore, #tpu.memory_space<semaphore_mem>>) attributes {dimension_semantics = [#tpu.dimension_semantics<core_parallel>, #tpu.dimension_semantics<subcore_parallel>], iteration_bounds = array<i64: 2, 16>, scalar_prefetch = 0 : i64, scratch_operands = 9 : i64, tpu.core_type = #tpu.core_type<sc_vector_subcore>, window_params = [{transform_indices = #map}, {transform_indices = #map}, {transform_indices = #map}, {transform_indices = #map1}, {transform_indices = #map2}]} {
    %mul3A = arith.constant 2 : i32
    %mul3A_0 = arith.muli %arg1, %mul3A : i32
    %add3A = arith.addi %mul3A_0, %arg0 : i32
    %mul3A_1 = arith.constant 256 : i32
    %mul3A_2 = arith.muli %add3A, %mul3A_1 : i32
    "tpu.region"() ({
      %run_scoped3A = tpu.sem_alloc : memref<!tpu.dma_semaphore, #tpu.memory_space<semaphore_mem>>
      %dma_start3A_55 = arith.constant 0 : i32
      %dma_start3A_56 = tpu.memref_slice %arg3[%mul3A_2, %dma_start3A_55] : memref<8192x100xi32, #tpu.memory_space<hbm>> -> memref<256x100xi32, #tpu.memory_space<hbm>>
      %dma_start3A_57 = arith.constant 0 : i32
      %dma_start3A_58 = tpu.memref_slice %arg3[%mul3A_2, %dma_start3A_57] : memref<8192x100xi32, #tpu.memory_space<hbm>> -> memref<256x100xi32, #tpu.memory_space<hbm>>
      tpu.enqueue_dma source(%dma_start3A_58 : memref<256x100xi32, #tpu.memory_space<hbm>>) target(%arg7 : memref<256x100xi32, #tpu.memory_space<vmem>>) target_semaphore(%run_scoped3A : memref<!tpu.dma_semaphore, #tpu.memory_space<semaphore_mem>>)
      %dma_wait3A = arith.constant 0 : i32
      %dma_wait3A_59 = tpu.memref_slice %arg3[%mul3A_2, %dma_wait3A] : memref<8192x100xi32, #tpu.memory_space<hbm>> -> memref<256x100xi32, #tpu.memory_space<hbm>>
      %dma_wait3A_60 = arith.constant 0 : i32
      %dma_wait3A_61 = tpu.memref_slice %arg3[%mul3A_2, %dma_wait3A_60] : memref<8192x100xi32, #tpu.memory_space<hbm>> -> memref<256x100xi32, #tpu.memory_space<hbm>>
      tpu.wait_dma2 semaphore(%run_scoped3A : memref<!tpu.dma_semaphore, #tpu.memory_space<semaphore_mem>>) src(%dma_wait3A_61 : memref<256x100xi32, #tpu.memory_space<hbm>>) dst(%arg7 : memref<256x100xi32, #tpu.memory_space<vmem>>)
      tpu.yield
    }) : () -> ()
    %mul3A_3 = arith.constant 128 : i32
    %mul3A_4 = arith.muli %add3A, %mul3A_3 : i32
    "tpu.region"() ({
      %run_scoped3A = tpu.sem_alloc : memref<!tpu.dma_semaphore, #tpu.memory_space<semaphore_mem>>
      %dma_start3A_55 = arith.constant 0 : i32
      %dma_start3A_56 = tpu.memref_slice %arg2[%mul3A_4, %dma_start3A_55] : memref<4096x128xf32, #tpu.memory_space<hbm>> -> memref<128x128xf32, #tpu.memory_space<hbm>>
      %dma_start3A_57 = arith.constant 0 : i32
      %dma_start3A_58 = tpu.memref_slice %arg2[%mul3A_4, %dma_start3A_57] : memref<4096x128xf32, #tpu.memory_space<hbm>> -> memref<128x128xf32, #tpu.memory_space<hbm>>
      tpu.enqueue_dma source(%dma_start3A_58 : memref<128x128xf32, #tpu.memory_space<hbm>>) target(%arg8 : memref<128x128xf32, #tpu.memory_space<vmem>>) target_semaphore(%run_scoped3A : memref<!tpu.dma_semaphore, #tpu.memory_space<semaphore_mem>>)
      %dma_wait3A = arith.constant 0 : i32
      %dma_wait3A_59 = tpu.memref_slice %arg2[%mul3A_4, %dma_wait3A] : memref<4096x128xf32, #tpu.memory_space<hbm>> -> memref<128x128xf32, #tpu.memory_space<hbm>>
      %dma_wait3A_60 = arith.constant 0 : i32
      %dma_wait3A_61 = tpu.memref_slice %arg2[%mul3A_4, %dma_wait3A_60] : memref<4096x128xf32, #tpu.memory_space<hbm>> -> memref<128x128xf32, #tpu.memory_space<hbm>>
      tpu.wait_dma2 semaphore(%run_scoped3A : memref<!tpu.dma_semaphore, #tpu.memory_space<semaphore_mem>>) src(%dma_wait3A_61 : memref<128x128xf32, #tpu.memory_space<hbm>>) dst(%arg8 : memref<128x128xf32, #tpu.memory_space<vmem>>)
      tpu.yield
    }) : () -> ()
    %iota3A = tpu.iota {dimensions = array<i32: 0>} : vector<16xi32>
    %dma_start3A = arith.constant 0 : i32
    %dma_start3A_5 = arith.constant 0 : i32
    %dma_start3A_6 = arith.constant 0 : i32
    %dma_start3A_7 = arith.constant 0 : i32
    %dma_start3A_8 = tpu.memref_slice %arg9[%dma_start3A_5, %dma_start3A_6, %dma_start3A_7] : memref<2x100x128xf32, #tpu.memory_space<vmem>> -> memref<1x100x128xf32, #tpu.memory_space<vmem>>
    %dma_start3A_9 = tpu.memref_squeeze %dma_start3A_8 : memref<1x100x128xf32, #tpu.memory_space<vmem>> -> memref<100x128xf32, #tpu.memory_space<vmem>>
    %dma_start3A_10 = arith.constant 0 : i32
    %dma_start3A_11 = tpu.memref_slice %arg7[%dma_start3A, %dma_start3A_10] : memref<256x100xi32, #tpu.memory_space<vmem>> -> memref<1x100xi32, #tpu.memory_space<vmem>>
    %dma_start3A_12 = tpu.memref_squeeze %dma_start3A_11 : memref<1x100xi32, #tpu.memory_space<vmem>> -> memref<100xi32, #tpu.memory_space<vmem>>
    %dma_start3A_13 = arith.constant 0 : i32
    %dma_start3A_14 = arith.constant 0 : i32
    %dma_start3A_15 = tpu.memref_slice %arg4[%dma_start3A_13, %dma_start3A_14] : memref<1000000x128xf32, #tpu.memory_space<hbm>> -> memref<1000000x128xf32, #tpu.memory_space<hbm>>
    tpu.enqueue_indirect_dma source(%dma_start3A_15 : memref<1000000x128xf32, #tpu.memory_space<hbm>>) target(%dma_start3A_9 : memref<100x128xf32, #tpu.memory_space<vmem>>) offsets(%dma_start3A_12 : memref<100xi32, #tpu.memory_space<vmem>>) semaphore(%arg12 : memref<!tpu.dma_semaphore, #tpu.memory_space<semaphore_mem>>)
    %dma_start3A_16 = arith.constant 0 : i32
    %dma_start3A_17 = arith.constant 0 : i32
    %dma_start3A_18 = arith.constant 0 : i32
    %dma_start3A_19 = tpu.memref_slice %arg10[%dma_start3A_17, %dma_start3A_18] : memref<2x100xf32, #tpu.memory_space<vmem>> -> memref<1x100xf32, #tpu.memory_space<vmem>>
    %dma_start3A_20 = tpu.memref_squeeze %dma_start3A_19 : memref<1x100xf32, #tpu.memory_space<vmem>> -> memref<100xf32, #tpu.memory_space<vmem>>
    %dma_start3A_21 = arith.constant 0 : i32
    %dma_start3A_22 = tpu.memref_slice %arg7[%dma_start3A_16, %dma_start3A_21] : memref<256x100xi32, #tpu.memory_space<vmem>> -> memref<1x100xi32, #tpu.memory_space<vmem>>
    %dma_start3A_23 = tpu.memref_squeeze %dma_start3A_22 : memref<1x100xi32, #tpu.memory_space<vmem>> -> memref<100xi32, #tpu.memory_space<vmem>>
    %dma_start3A_24 = arith.constant 0 : i32
    %dma_start3A_25 = tpu.memref_slice %arg5[%dma_start3A_24] : memref<1000000xf32, #tpu.memory_space<hbm>> -> memref<1000000xf32, #tpu.memory_space<hbm>>
    tpu.enqueue_indirect_dma source(%dma_start3A_25 : memref<1000000xf32, #tpu.memory_space<hbm>>) target(%dma_start3A_20 : memref<100xf32, #tpu.memory_space<vmem>>) offsets(%dma_start3A_23 : memref<100xi32, #tpu.memory_space<vmem>>) semaphore(%arg14 : memref<!tpu.dma_semaphore, #tpu.memory_space<semaphore_mem>>)
    %dma_start3A_26 = arith.constant 1 : i32
    %dma_start3A_27 = arith.constant 1 : i32
    %dma_start3A_28 = arith.constant 0 : i32
    %dma_start3A_29 = arith.constant 0 : i32
    %dma_start3A_30 = tpu.memref_slice %arg9[%dma_start3A_27, %dma_start3A_28, %dma_start3A_29] : memref<2x100x128xf32, #tpu.memory_space<vmem>> -> memref<1x100x128xf32, #tpu.memory_space<vmem>>
    %dma_start3A_31 = tpu.memref_squeeze %dma_start3A_30 : memref<1x100x128xf32, #tpu.memory_space<vmem>> -> memref<100x128xf32, #tpu.memory_space<vmem>>
    %dma_start3A_32 = arith.constant 0 : i32
    %dma_start3A_33 = tpu.memref_slice %arg7[%dma_start3A_26, %dma_start3A_32] : memref<256x100xi32, #tpu.memory_space<vmem>> -> memref<1x100xi32, #tpu.memory_space<vmem>>
    %dma_start3A_34 = tpu.memref_squeeze %dma_start3A_33 : memref<1x100xi32, #tpu.memory_space<vmem>> -> memref<100xi32, #tpu.memory_space<vmem>>
    %dma_start3A_35 = arith.constant 0 : i32
    %dma_start3A_36 = arith.constant 0 : i32
    %dma_start3A_37 = tpu.memref_slice %arg4[%dma_start3A_35, %dma_start3A_36] : memref<1000000x128xf32, #tpu.memory_space<hbm>> -> memref<1000000x128xf32, #tpu.memory_space<hbm>>
    tpu.enqueue_indirect_dma source(%dma_start3A_37 : memref<1000000x128xf32, #tpu.memory_space<hbm>>) target(%dma_start3A_31 : memref<100x128xf32, #tpu.memory_space<vmem>>) offsets(%dma_start3A_34 : memref<100xi32, #tpu.memory_space<vmem>>) semaphore(%arg13 : memref<!tpu.dma_semaphore, #tpu.memory_space<semaphore_mem>>)
    %dma_start3A_38 = arith.constant 1 : i32
    %dma_start3A_39 = arith.constant 1 : i32
    %dma_start3A_40 = arith.constant 0 : i32
    %dma_start3A_41 = tpu.memref_slice %arg10[%dma_start3A_39, %dma_start3A_40] : memref<2x100xf32, #tpu.memory_space<vmem>> -> memref<1x100xf32, #tpu.memory_space<vmem>>
    %dma_start3A_42 = tpu.memref_squeeze %dma_start3A_41 : memref<1x100xf32, #tpu.memory_space<vmem>> -> memref<100xf32, #tpu.memory_space<vmem>>
    %dma_start3A_43 = arith.constant 0 : i32
    %dma_start3A_44 = tpu.memref_slice %arg7[%dma_start3A_38, %dma_start3A_43] : memref<256x100xi32, #tpu.memory_space<vmem>> -> memref<1x100xi32, #tpu.memory_space<vmem>>
    %dma_start3A_45 = tpu.memref_squeeze %dma_start3A_44 : memref<1x100xi32, #tpu.memory_space<vmem>> -> memref<100xi32, #tpu.memory_space<vmem>>
    %dma_start3A_46 = arith.constant 0 : i32
    %dma_start3A_47 = tpu.memref_slice %arg5[%dma_start3A_46] : memref<1000000xf32, #tpu.memory_space<hbm>> -> memref<1000000xf32, #tpu.memory_space<hbm>>
    tpu.enqueue_indirect_dma source(%dma_start3A_47 : memref<1000000xf32, #tpu.memory_space<hbm>>) target(%dma_start3A_42 : memref<100xf32, #tpu.memory_space<vmem>>) offsets(%dma_start3A_45 : memref<100xi32, #tpu.memory_space<vmem>>) semaphore(%arg15 : memref<!tpu.dma_semaphore, #tpu.memory_space<semaphore_mem>>)
    %scan3A = arith.constant 0 : i32
    %scan3A_48 = arith.constant 0 : i32
    %scan3A_49 = arith.constant 128 : i32
    %scan3A_50 = arith.addi %scan3A_48, %scan3A_49 : i32
    %scan3A_51 = arith.constant 1 : i32
    scf.for %scan3A_55 = %scan3A_48 to %scan3A_50 step %scan3A_51  : i32 {
      %mul3A_56 = arith.constant 2 : i32
      %mul3A_57 = arith.muli %mul3A_56, %scan3A_55 : i32
      %add3A_58 = arith.constant 0 : i32
      %add3A_59 = arith.addi %mul3A_57, %add3A_58 : i32
      %dma_wait3A = arith.constant 0 : i32
      %dma_wait3A_60 = arith.constant 0 : i32
      %dma_wait3A_61 = arith.constant 0 : i32
      %dma_wait3A_62 = tpu.memref_slice %arg9[%dma_wait3A, %dma_wait3A_60, %dma_wait3A_61] : memref<2x100x128xf32, #tpu.memory_space<vmem>> -> memref<1x100x128xf32, #tpu.memory_space<vmem>>
      %dma_wait3A_63 = tpu.memref_squeeze %dma_wait3A_62 : memref<1x100x128xf32, #tpu.memory_space<vmem>> -> memref<100x128xf32, #tpu.memory_space<vmem>>
      %dma_wait3A_64 = arith.constant 0 : i32
      %dma_wait3A_65 = tpu.memref_slice %arg7[%add3A_59, %dma_wait3A_64] : memref<256x100xi32, #tpu.memory_space<vmem>> -> memref<1x100xi32, #tpu.memory_space<vmem>>
      %dma_wait3A_66 = tpu.memref_squeeze %dma_wait3A_65 : memref<1x100xi32, #tpu.memory_space<vmem>> -> memref<100xi32, #tpu.memory_space<vmem>>
      %dma_wait3A_67 = arith.constant 0 : i32
      %dma_wait3A_68 = arith.constant 0 : i32
      %dma_wait3A_69 = tpu.memref_slice %arg4[%dma_wait3A_67, %dma_wait3A_68] : memref<1000000x128xf32, #tpu.memory_space<hbm>> -> memref<1000000x128xf32, #tpu.memory_space<hbm>>
      tpu.wait_indirect_dma semaphore(%arg12 : memref<!tpu.dma_semaphore, #tpu.memory_space<semaphore_mem>>) src(%dma_wait3A_69 : memref<1000000x128xf32, #tpu.memory_space<hbm>>) dst(%dma_wait3A_63 : memref<100x128xf32, #tpu.memory_space<vmem>>)
      %dma_wait3A_70 = arith.constant 0 : i32
      %dma_wait3A_71 = arith.constant 0 : i32
      %dma_wait3A_72 = tpu.memref_slice %arg10[%dma_wait3A_70, %dma_wait3A_71] : memref<2x100xf32, #tpu.memory_space<vmem>> -> memref<1x100xf32, #tpu.memory_space<vmem>>
      %dma_wait3A_73 = tpu.memref_squeeze %dma_wait3A_72 : memref<1x100xf32, #tpu.memory_space<vmem>> -> memref<100xf32, #tpu.memory_space<vmem>>
      %dma_wait3A_74 = arith.constant 0 : i32
      %dma_wait3A_75 = tpu.memref_slice %arg7[%add3A_59, %dma_wait3A_74] : memref<256x100xi32, #tpu.memory_space<vmem>> -> memref<1x100xi32, #tpu.memory_space<vmem>>
      %dma_wait3A_76 = tpu.memref_squeeze %dma_wait3A_75 : memref<1x100xi32, #tpu.memory_space<vmem>> -> memref<100xi32, #tpu.memory_space<vmem>>
      %dma_wait3A_77 = arith.constant 0 : i32
      %dma_wait3A_78 = tpu.memref_slice %arg5[%dma_wait3A_77] : memref<1000000xf32, #tpu.memory_space<hbm>> -> memref<1000000xf32, #tpu.memory_space<hbm>>
      tpu.wait_indirect_dma semaphore(%arg14 : memref<!tpu.dma_semaphore, #tpu.memory_space<semaphore_mem>>) src(%dma_wait3A_78 : memref<1000000xf32, #tpu.memory_space<hbm>>) dst(%dma_wait3A_73 : memref<100xf32, #tpu.memory_space<vmem>>)
      %add3A_79 = arith.constant 2 : i32
      %add3A_80 = arith.addi %add3A_59, %add3A_79 : i32
      %lt3A = arith.constant 256 : i32
      %lt3A_81 = arith.cmpi slt, %add3A_80, %lt3A : i32
      %convert_element_type3A = arith.extui %lt3A_81 : i1 to i32
      %cond3A = arith.constant 0 : i32
      %cond3A_82 = arith.cmpi ne, %convert_element_type3A, %cond3A : i32
      scf.if %cond3A_82 {
        %add3A_114 = arith.constant 2 : i32
        %add3A_115 = arith.addi %add3A_59, %add3A_114 : i32
        %dma_start3A_116 = arith.constant 0 : i32
        %dma_start3A_117 = arith.constant 0 : i32
        %dma_start3A_118 = arith.constant 0 : i32
        %dma_start3A_119 = tpu.memref_slice %arg9[%dma_start3A_116, %dma_start3A_117, %dma_start3A_118] : memref<2x100x128xf32, #tpu.memory_space<vmem>> -> memref<1x100x128xf32, #tpu.memory_space<vmem>>
        %dma_start3A_120 = tpu.memref_squeeze %dma_start3A_119 : memref<1x100x128xf32, #tpu.memory_space<vmem>> -> memref<100x128xf32, #tpu.memory_space<vmem>>
        %dma_start3A_121 = arith.constant 0 : i32
        %dma_start3A_122 = tpu.memref_slice %arg7[%add3A_115, %dma_start3A_121] : memref<256x100xi32, #tpu.memory_space<vmem>> -> memref<1x100xi32, #tpu.memory_space<vmem>>
        %dma_start3A_123 = tpu.memref_squeeze %dma_start3A_122 : memref<1x100xi32, #tpu.memory_space<vmem>> -> memref<100xi32, #tpu.memory_space<vmem>>
        %dma_start3A_124 = arith.constant 0 : i32
        %dma_start3A_125 = arith.constant 0 : i32
        %dma_start3A_126 = tpu.memref_slice %arg4[%dma_start3A_124, %dma_start3A_125] : memref<1000000x128xf32, #tpu.memory_space<hbm>> -> memref<1000000x128xf32, #tpu.memory_space<hbm>>
        tpu.enqueue_indirect_dma source(%dma_start3A_126 : memref<1000000x128xf32, #tpu.memory_space<hbm>>) target(%dma_start3A_120 : memref<100x128xf32, #tpu.memory_space<vmem>>) offsets(%dma_start3A_123 : memref<100xi32, #tpu.memory_space<vmem>>) semaphore(%arg12 : memref<!tpu.dma_semaphore, #tpu.memory_space<semaphore_mem>>)
        %dma_start3A_127 = arith.constant 0 : i32
        %dma_start3A_128 = arith.constant 0 : i32
        %dma_start3A_129 = tpu.memref_slice %arg10[%dma_start3A_127, %dma_start3A_128] : memref<2x100xf32, #tpu.memory_space<vmem>> -> memref<1x100xf32, #tpu.memory_space<vmem>>
        %dma_start3A_130 = tpu.memref_squeeze %dma_start3A_129 : memref<1x100xf32, #tpu.memory_space<vmem>> -> memref<100xf32, #tpu.memory_space<vmem>>
        %dma_start3A_131 = arith.constant 0 : i32
        %dma_start3A_132 = tpu.memref_slice %arg7[%add3A_115, %dma_start3A_131] : memref<256x100xi32, #tpu.memory_space<vmem>> -> memref<1x100xi32, #tpu.memory_space<vmem>>
        %dma_start3A_133 = tpu.memref_squeeze %dma_start3A_132 : memref<1x100xi32, #tpu.memory_space<vmem>> -> memref<100xi32, #tpu.memory_space<vmem>>
        %dma_start3A_134 = arith.constant 0 : i32
        %dma_start3A_135 = tpu.memref_slice %arg5[%dma_start3A_134] : memref<1000000xf32, #tpu.memory_space<hbm>> -> memref<1000000xf32, #tpu.memory_space<hbm>>
        tpu.enqueue_indirect_dma source(%dma_start3A_135 : memref<1000000xf32, #tpu.memory_space<hbm>>) target(%dma_start3A_130 : memref<100xf32, #tpu.memory_space<vmem>>) offsets(%dma_start3A_133 : memref<100xi32, #tpu.memory_space<vmem>>) semaphore(%arg14 : memref<!tpu.dma_semaphore, #tpu.memory_space<semaphore_mem>>)
      } else {
      }
      %mul3A_83 = arith.constant 2 : i32
      %mul3A_84 = arith.muli %mul3A_83, %scan3A_55 : i32
      %add3A_85 = arith.constant 1 : i32
      %add3A_86 = arith.addi %mul3A_84, %add3A_85 : i32
      %dma_wait3A_87 = arith.constant 1 : i32
      %dma_wait3A_88 = arith.constant 0 : i32
      %dma_wait3A_89 = arith.constant 0 : i32
      %dma_wait3A_90 = tpu.memref_slice %arg9[%dma_wait3A_87, %dma_wait3A_88, %dma_wait3A_89] : memref<2x100x128xf32, #tpu.memory_space<vmem>> -> memref<1x100x128xf32, #tpu.memory_space<vmem>>
      %dma_wait3A_91 = tpu.memref_squeeze %dma_wait3A_90 : memref<1x100x128xf32, #tpu.memory_space<vmem>> -> memref<100x128xf32, #tpu.memory_space<vmem>>
      %dma_wait3A_92 = arith.constant 0 : i32
      %dma_wait3A_93 = tpu.memref_slice %arg7[%add3A_86, %dma_wait3A_92] : memref<256x100xi32, #tpu.memory_space<vmem>> -> memref<1x100xi32, #tpu.memory_space<vmem>>
      %dma_wait3A_94 = tpu.memref_squeeze %dma_wait3A_93 : memref<1x100xi32, #tpu.memory_space<vmem>> -> memref<100xi32, #tpu.memory_space<vmem>>
      %dma_wait3A_95 = arith.constant 0 : i32
      %dma_wait3A_96 = arith.constant 0 : i32
      %dma_wait3A_97 = tpu.memref_slice %arg4[%dma_wait3A_95, %dma_wait3A_96] : memref<1000000x128xf32, #tpu.memory_space<hbm>> -> memref<1000000x128xf32, #tpu.memory_space<hbm>>
      tpu.wait_indirect_dma semaphore(%arg13 : memref<!tpu.dma_semaphore, #tpu.memory_space<semaphore_mem>>) src(%dma_wait3A_97 : memref<1000000x128xf32, #tpu.memory_space<hbm>>) dst(%dma_wait3A_91 : memref<100x128xf32, #tpu.memory_space<vmem>>)
      %dma_wait3A_98 = arith.constant 1 : i32
      %dma_wait3A_99 = arith.constant 0 : i32
      %dma_wait3A_100 = tpu.memref_slice %arg10[%dma_wait3A_98, %dma_wait3A_99] : memref<2x100xf32, #tpu.memory_space<vmem>> -> memref<1x100xf32, #tpu.memory_space<vmem>>
      %dma_wait3A_101 = tpu.memref_squeeze %dma_wait3A_100 : memref<1x100xf32, #tpu.memory_space<vmem>> -> memref<100xf32, #tpu.memory_space<vmem>>
      %dma_wait3A_102 = arith.constant 0 : i32
      %dma_wait3A_103 = tpu.memref_slice %arg7[%add3A_86, %dma_wait3A_102] : memref<256x100xi32, #tpu.memory_space<vmem>> -> memref<1x100xi32, #tpu.memory_space<vmem>>
      %dma_wait3A_104 = tpu.memref_squeeze %dma_wait3A_103 : memref<1x100xi32, #tpu.memory_space<vmem>> -> memref<100xi32, #tpu.memory_space<vmem>>
      %dma_wait3A_105 = arith.constant 0 : i32
      %dma_wait3A_106 = tpu.memref_slice %arg5[%dma_wait3A_105] : memref<1000000xf32, #tpu.memory_space<hbm>> -> memref<1000000xf32, #tpu.memory_space<hbm>>
      tpu.wait_indirect_dma semaphore(%arg15 : memref<!tpu.dma_semaphore, #tpu.memory_space<semaphore_mem>>) src(%dma_wait3A_106 : memref<1000000xf32, #tpu.memory_space<hbm>>) dst(%dma_wait3A_101 : memref<100xf32, #tpu.memory_space<vmem>>)
      %add3A_107 = arith.constant 2 : i32
      %add3A_108 = arith.addi %add3A_86, %add3A_107 : i32
      %lt3A_109 = arith.constant 256 : i32
      %lt3A_110 = arith.cmpi slt, %add3A_108, %lt3A_109 : i32
      %convert_element_type3A_111 = arith.extui %lt3A_110 : i1 to i32
      %cond3A_112 = arith.constant 0 : i32
      %cond3A_113 = arith.cmpi ne, %convert_element_type3A_111, %cond3A_112 : i32
      scf.if %cond3A_113 {
        %add3A_114 = arith.constant 2 : i32
        %add3A_115 = arith.addi %add3A_86, %add3A_114 : i32
        %dma_start3A_116 = arith.constant 1 : i32
        %dma_start3A_117 = arith.constant 0 : i32
        %dma_start3A_118 = arith.constant 0 : i32
        %dma_start3A_119 = tpu.memref_slice %arg9[%dma_start3A_116, %dma_start3A_117, %dma_start3A_118] : memref<2x100x128xf32, #tpu.memory_space<vmem>> -> memref<1x100x128xf32, #tpu.memory_space<vmem>>
        %dma_start3A_120 = tpu.memref_squeeze %dma_start3A_119 : memref<1x100x128xf32, #tpu.memory_space<vmem>> -> memref<100x128xf32, #tpu.memory_space<vmem>>
        %dma_start3A_121 = arith.constant 0 : i32
        %dma_start3A_122 = tpu.memref_slice %arg7[%add3A_115, %dma_start3A_121] : memref<256x100xi32, #tpu.memory_space<vmem>> -> memref<1x100xi32, #tpu.memory_space<vmem>>
        %dma_start3A_123 = tpu.memref_squeeze %dma_start3A_122 : memref<1x100xi32, #tpu.memory_space<vmem>> -> memref<100xi32, #tpu.memory_space<vmem>>
        %dma_start3A_124 = arith.constant 0 : i32
        %dma_start3A_125 = arith.constant 0 : i32
        %dma_start3A_126 = tpu.memref_slice %arg4[%dma_start3A_124, %dma_start3A_125] : memref<1000000x128xf32, #tpu.memory_space<hbm>> -> memref<1000000x128xf32, #tpu.memory_space<hbm>>
        tpu.enqueue_indirect_dma source(%dma_start3A_126 : memref<1000000x128xf32, #tpu.memory_space<hbm>>) target(%dma_start3A_120 : memref<100x128xf32, #tpu.memory_space<vmem>>) offsets(%dma_start3A_123 : memref<100xi32, #tpu.memory_space<vmem>>) semaphore(%arg13 : memref<!tpu.dma_semaphore, #tpu.memory_space<semaphore_mem>>)
        %dma_start3A_127 = arith.constant 1 : i32
        %dma_start3A_128 = arith.constant 0 : i32
        %dma_start3A_129 = tpu.memref_slice %arg10[%dma_start3A_127, %dma_start3A_128] : memref<2x100xf32, #tpu.memory_space<vmem>> -> memref<1x100xf32, #tpu.memory_space<vmem>>
        %dma_start3A_130 = tpu.memref_squeeze %dma_start3A_129 : memref<1x100xf32, #tpu.memory_space<vmem>> -> memref<100xf32, #tpu.memory_space<vmem>>
        %dma_start3A_131 = arith.constant 0 : i32
        %dma_start3A_132 = tpu.memref_slice %arg7[%add3A_115, %dma_start3A_131] : memref<256x100xi32, #tpu.memory_space<vmem>> -> memref<1x100xi32, #tpu.memory_space<vmem>>
        %dma_start3A_133 = tpu.memref_squeeze %dma_start3A_132 : memref<1x100xi32, #tpu.memory_space<vmem>> -> memref<100xi32, #tpu.memory_space<vmem>>
        %dma_start3A_134 = arith.constant 0 : i32
        %dma_start3A_135 = tpu.memref_slice %arg5[%dma_start3A_134] : memref<1000000xf32, #tpu.memory_space<hbm>> -> memref<1000000xf32, #tpu.memory_space<hbm>>
        tpu.enqueue_indirect_dma source(%dma_start3A_135 : memref<1000000xf32, #tpu.memory_space<hbm>>) target(%dma_start3A_130 : memref<100xf32, #tpu.memory_space<vmem>>) offsets(%dma_start3A_133 : memref<100xi32, #tpu.memory_space<vmem>>) semaphore(%arg15 : memref<!tpu.dma_semaphore, #tpu.memory_space<semaphore_mem>>)
      } else {
      }
    }
    %scan3A_52 = arith.constant 128 : i32
    %mul3A_53 = arith.constant 128 : i32
    %mul3A_54 = arith.muli %add3A, %mul3A_53 : i32
    "tpu.region"() ({
      %run_scoped3A = tpu.sem_alloc : memref<!tpu.dma_semaphore, #tpu.memory_space<semaphore_mem>>
      %dma_start3A_55 = arith.constant 0 : i32
      %dma_start3A_56 = arith.constant 0 : i32
      %dma_start3A_57 = tpu.memref_slice %arg6[%mul3A_54, %dma_start3A_55, %dma_start3A_56] : memref<4096x2x100xf32, #tpu.memory_space<hbm>> -> memref<128x2x100xf32, #tpu.memory_space<hbm>>
      %dma_start3A_58 = arith.constant 0 : i32
      %dma_start3A_59 = arith.constant 0 : i32
      %dma_start3A_60 = tpu.memref_slice %arg6[%mul3A_54, %dma_start3A_58, %dma_start3A_59] : memref<4096x2x100xf32, #tpu.memory_space<hbm>> -> memref<128x2x100xf32, #tpu.memory_space<hbm>>
      tpu.enqueue_dma source(%arg11 : memref<128x2x100xf32, #tpu.memory_space<vmem>>) target(%dma_start3A_60 : memref<128x2x100xf32, #tpu.memory_space<hbm>>) target_semaphore(%run_scoped3A : memref<!tpu.dma_semaphore, #tpu.memory_space<semaphore_mem>>)
      %dma_wait3A = arith.constant 0 : i32
      %dma_wait3A_61 = arith.constant 0 : i32
      %dma_wait3A_62 = tpu.memref_slice %arg6[%mul3A_54, %dma_wait3A, %dma_wait3A_61] : memref<4096x2x100xf32, #tpu.memory_space<hbm>> -> memref<128x2x100xf32, #tpu.memory_space<hbm>>
      %dma_wait3A_63 = arith.constant 0 : i32
      %dma_wait3A_64 = arith.constant 0 : i32
      %dma_wait3A_65 = tpu.memref_slice %arg6[%mul3A_54, %dma_wait3A_63, %dma_wait3A_64] : memref<4096x2x100xf32, #tpu.memory_space<hbm>> -> memref<128x2x100xf32, #tpu.memory_space<hbm>>
      tpu.wait_dma2 semaphore(%run_scoped3A : memref<!tpu.dma_semaphore, #tpu.memory_space<semaphore_mem>>) src(%arg11 : memref<128x2x100xf32, #tpu.memory_space<vmem>>) dst(%dma_wait3A_65 : memref<128x2x100xf32, #tpu.memory_space<hbm>>)
      tpu.yield
    }) : () -> ()
    return
  }
}

</mosaic_0001>

<sc_bundles>
// kernel: kernel.3.cloned.1.call-start
scs
__scs_entry_jumppad:
0x0: {  	(pc) =	sbr.rel $0x88, $3  }
0x1: {  	(tag) =	ssettag $0x0;
	lr =	simm.s32 $0x1  }
0x2: {  	[smem:$0x3F9D] =	sst lr;
	_ =	strace $0xD0000000  }
0x3: {  	_ = 	snop  }
0x4: {  	_ = 	snop  }
0x5: {  	_ = 	snop  }
0x6: {  	_ = 	snop  }
0x7: {  	_ = 	snop  }
__scs_overlays_trampoline_lowered:
0x8: {  	[smem:$0x3FAC] =	sst s0  }
0x9: {  	[smem:$0x3FAD] =	sst s1  }
0xa: {  	[smem:$0x3FAE] =	sst s2  }
0xb: {  	[smem:$0x3FAF] =	sst s3  }
0xc: {  	[smem:$0x3FB0] =	sst s4  }
0xd: {  	[smem:$0x3FB1] =	sst s5  }
0xe: {  	[smem:$0x3FB2] =	sst s6  }
0xf: {  	[smem:$0x3FB3] =	sst s7  }
0x10: {  	[smem:$0x3FB4] =	sst s8  }
0x11: {  	[smem:$0x3FB5] =	sst s9;
	s0 =	simm.s32 @!p0 $0x0  }
0x12: {  	s1 =	sld [smem:$0x3F9B];
	s0 =	simm.s32 @p0 $0x1  }
0x13: {  	[smem:$0x3FB6] =	sst s0;
	s0 =	simm.s32 @!p1 $0x0  }
0x14: {  	s2 =	sld [smem:$0x3F9A];
	s0 =	simm.s32 @p1 $0x1  }
0x15: {  	[smem:$0x3FB7] =	sst s0;
	s0 =	simm.s32 @!p2 $0x0  }
0x16: {  	s3 =	sld [smem:$0x3FDB];
	s0 =	simm.s32 @p2 $0x1  }
0x17: {  	s4 =	simm.s32 $0x1BF5;
	[smem:$0x3FB9] =	sst s0  }
0x18: {  	s0 =	sld [smem:$0x3F9C];
	_ =	swait.ge [sflag:s4], $0x0  }
0x19: {  	s7 =	sld [smem:$0x3F9D]  }
0x1a: {  	s8 =	sadd.s32 $0xFFFFE003, lr  }
0x1b: {  	s9 =	sadd.s32 $0xFFFFFEF7, lr;
	s5 =	simm.s32 $0xFFFFFFFF;
	p2 =	slt.u32 s8, $0xFFFFF086  }
0x1c: {  	p1 =	slt.u32 s9, $0xF7A;
	s5 =	simm.s32 @!p2 $0x0  }
0x1d: {  	s5 =	simm.s32 @p1 $0x1;
	p0 =	seq.s32 s7, s2  }
0x1e: {  	s7 =	smul.u32 @!p0 $0xF7A, s2;
	p2 =	seq.s32 @!p0 s5, $0x0  }
0x1f: {  	s9 =	smul.u32 $0xF7A, s1;
	s8 =	simm.s32 @!p0 $0x1BF5;
	p2 =	por !p2, p0  }
0x20: {  	[sflag:s8] =	ssyncset.s32 @!p0 $0xFFFFF086;
	s6 =	sadd.s32 @!p0 s3, s7;
	s7 =	simm.s32 @!p0 $0x108  }
0x21: {  	s3 =	sadd.s32 s3, s9;
	s6 =	sadd.s32 @!p0 $0x88, s6;
	s7 =	simm.s32 @p2 $0x1082  }
0x22: {  	[simem:s7], [sflag:s8] =	dma.local @!p0 [hbm:s6], $0xF7A  }
0x23: {  	s9 =	sor.u32 $0xD0000000, s2;
	s6 =	simm.s32 $0x108;
	_ =	swait.ge @!p0 [sflag:s8], $0x0  }
0x24: {  	s3 =	sadd.s32 $0x88, s3;
	s6 =	simm.s32 @!p1 $0x1082;
	[sflag:s4] =	ssyncset.s32 $0xFFFFF086  }
0x25: {  	[simem:s6], [sflag:s4] =	dma.local [hbm:s3], $0xF7A  }
0x26: {  	[smem:$0x3F9D] =	sst s1;
	(tag) =	ssettag s2;
	_ =	strace s9  }
0x27: {  	s1 =	sld [smem:$0x3FAD]  }
0x28: {  	s2 =	sld [smem:$0x3FAE]  }
0x29: {  	s4 =	sld [smem:$0x3FB0]  }
0x2a: {  	p0 =	seq.s32 s5, $0x0;
	s5 =	sld [smem:$0x3FB1]  }
0x2b: {  	s6 =	sld [smem:$0x3FB2]  }
0x2c: {  	s7 =	sld [smem:$0x3FB3]  }
0x2d: {  	s3 =	simm.s32 $0x108;
	s8 =	sld [smem:$0x3FB4]  }
0x2e: {  	s3 =	simm.s32 @!p0 $0x1082;
	s9 =	sld [smem:$0x3FB5]  }
0x2f: {  	lr =	sadd.s32 s0, s3;
	s0 =	sld [smem:$0x3FAC]  }
0x30: {  	s3 =	sld [smem:$0x3FAF]  }
0x31: {  	[smem:$0x3FB8] =	sst s10  }
0x32: {  	s10 =	sld [smem:$0x3FB6];
	_ =	sdelay $0x3  }
0x33: {  	p0 =	seq.s32 s10, $0x1;
	s10 =	sld [smem:$0x3FB8];
	_ =	sdelay $0x3  }
0x34: {  	[smem:$0x3FB8] =	sst s10  }
0x35: {  	s10 =	sld [smem:$0x3FB7];
	_ =	sdelay $0x3  }
0x36: {  	p1 =	seq.s32 s10, $0x1;
	s10 =	sld [smem:$0x3FB8];
	_ =	sdelay $0x3  }
0x37: {  	[smem:$0x3FB8] =	sst s10  }
0x38: {  	s10 =	sld [smem:$0x3FB9]  }
0x39: {  	_ = 	snop;
	(pc) =	sbr.ind lr, $3  }
0x3a: {  	_ = 	snop  }
0x3b: {  	_ = 	snop  }
0x3c: {  	p2 =	seq.s32 s10, $0x1;
	s10 =	sld [smem:$0x3FB8]  }
0x3d: {  	_ =	shalt  }
0x3e: {  	_ =	shalt  }
0x3f: {  	_ =	shalt  }
0x40: {  	_ =	shalt  }
0x41: {  	_ =	shalt  }
0x42: {  	_ =	shalt  }
0x43: {  	_ =	shalt  }
0x44: {  	_ =	shalt  }
0x45: {  	_ =	shalt  }
0x46: {  	_ =	shalt  }
0x47: {  	_ =	shalt  }
0x48: {  	_ =	shalt  }
0x49: {  	_ =	shalt  }
0x4a: {  	_ =	shalt  }
0x4b: {  	_ =	shalt  }
0x4c: {  	_ =	shalt  }
0x4d: {  	_ =	shalt  }
0x4e: {  	_ =	shalt  }
0x4f: {  	_ =	shalt  }
0x50: {  	_ =	shalt  }
0x51: {  	_ =	shalt  }
0x52: {  	_ =	shalt  }
0x53: {  	_ =	shalt  }
0x54: {  	_ =	shalt  }
0x55: {  	_ =	shalt  }
0x56: {  	_ =	shalt  }
0x57: {  	_ =	shalt  }
0x58: {  	_ =	shalt  }
0x59: {  	_ =	shalt  }
0x5a: {  	_ =	shalt  }
0x5b: {  	_ =	shalt  }
0x5c: {  	_ =	shalt  }
0x5d: {  	_ =	shalt  }
0x5e: {  	_ =	shalt  }
0x5f: {  	_ =	shalt  }
0x60: {  	_ =	shalt  }
0x61: {  	_ =	shalt  }
0x62: {  	_ =	shalt  }
0x63: {  	_ =	shalt  }
0x64: {  	_ =	shalt  }
0x65: {  	_ =	shalt  }
0x66: {  	_ =	shalt  }
0x67: {  	_ =	shalt  }
0x68: {  	_ =	shalt  }
0x69: {  	_ =	shalt  }
0x6a: {  	_ =	shalt  }
0x6b: {  	_ =	shalt  }
0x6c: {  	_ =	shalt  }
0x6d: {  	_ =	shalt  }
0x6e: {  	_ =	shalt  }
0x6f: {  	_ =	shalt  }
0x70: {  	_ =	shalt  }
0x71: {  	_ =	shalt  }
0x72: {  	_ =	shalt  }
0x73: {  	_ =	shalt  }
0x74: {  	_ =	shalt  }
0x75: {  	_ =	shalt  }
0x76: {  	_ =	shalt  }
0x77: {  	_ =	shalt  }
0x78: {  	_ =	shalt  }
0x79: {  	_ =	shalt  }
0x7a: {  	_ =	shalt  }
0x7b: {  	_ =	shalt  }
0x7c: {  	_ =	shalt  }
0x7d: {  	_ =	shalt  }
0x7e: {  	_ =	shalt  }
0x7f: {  	_ =	shalt  }
0x80: {  	_ =	shalt  }
0x81: {  	_ =	shalt  }
0x82: {  	_ =	shalt  }
0x83: {  	_ =	shalt  }
0x84: {  	_ =	shalt  }
0x85: {  	_ =	shalt  }
0x86: {  	_ =	shalt  }
0x87: {  	_ =	shalt  }
.Lfunc_end0:
.L_simem_size_0:
called_computation_lowered:
.L_overlay_start_0:
0x88: {  	s2 =	sld [smem:$0x3FD9]  }
0x89: {  	s3 =	sld [smem:$0x3FFE];
	_ =	sdelay $0x1  }
0x8a: {  	s1 =	srdreg.scid  }
0x8b: {  	s0 =	sand.u32 $0x1, s1  }
0x8c: {  	s17 =	sshll.u32 s0, $0xA;
	s2 =	sadd.s32 s3, s2  }
0x8d: {  	s2 =	sadd.s32 s2, s17  }
0x8e: {  	[smem:$0x3FC4] =	sst s2  }
0x8f: {  	_ = 	snop  }
0x90: {  	s2 =	sld [smem:$0x3FC9]  }
0x91: {  	s18 =	sld [smem:$0x3FC7];
	(tm) =	ssettm $0x1  }
0x92: {  	s4 =	sld [smem:$0x3FFB];
	_ =	sdelay $0x3  }
0x93: {  	_ =	strace s4  }
0x94: {  	s4 =	sld [smem:$0x3FFC];
	_ =	sdelay $0x3  }
0x95: {  	_ =	strace s4  }
0x96: {  	s4 =	sld [smem:$0x3FFD];
	_ =	sdelay $0x3  }
0x97: {  	_ =	strace s4  }
0x98: {  	_ =	strace $0x8FFFFFFF  }
0x99: {  	s19 =	sld [smem:$0x3FDB];
	_ =	sdelay $0x1  }
0x9a: {  	s5 =	simm.s32 $_scs_section_size  }
0x9b: {  	s6 =	simm.s32 $_size__tile_overlayer_lowered;
	s7 =	simm.s32 $_tile_overlayer_lowered  }
0x9c: {  	s22 =	simm.s32 $0x1BFF;
	s21 =	sshll.u32 s7, $0x1;
	s4 =	sadd.s32 s5, s19  }
0x9d: {  	s8 =	simm.s32 $0x0;
	s20 =	sshll.u32 s6, $0x1;
	s6 =	sadd.s32 s21, s4  }
0x9e: {  	[timem:s8], [sflag:s22] =	dma.local [hbm:s6], s20  }
0x9f: {  	_ =	swait.ge [sflag:s22], s20  }
0xa0: {  	s5 =	ssub.s32 $0x0, s20;
	[sflag:s22] =	ssyncset.done $0x0  }
0xa1: {  	[sflag:s22] =	ssyncadd.s32 s5;
	_ =	sdelay $0x1  }
0xa2: {  	s23 =	simm.s32 $0x1B8B  }
0xa3: {  	_ =	swait.ge [sflag:s23], $0x1  }
0xa4: {  	[sflag:s23] =	ssyncset.done $0x0  }
0xa5: {  	s25 =	simm.s32 $0x1B8E;
	s24 =	sld [smem:$0x3FFE];
	[sflag:s23] =	ssyncadd.s32 $0xFFFFFFFF  }
0xa6: {  	s26 =	simm.s32 $execute0_lowered;
	[smem:$0x3FD2] =	sst s25  }
0xa7: {  	s6 =	sshll.u32 s26, $0x1;
	_ =	strace $0x80000046;
	[dreg:$0x1] =	wrdreg $0xFFFFFFFF  }
0xa8: {  	s28 =	simm.s32 $_size_execute0_lowered;
	s4 =	sadd.s32 s4, s6;
	[dreg:$0x0] =	wrdreg $0x0  }
0xa9: {  	s6 =	sshll.u32 s28, $0x1;
	[dreg:$0x2] =	wrdreg s4  }
0xaa: {  	[dreg:$0x3] =	wrdreg s6  }
0xab: {  	[dreg:$0x4] =	wrdreg $0xC0  }
0xac: {  	_ =	task [dreg:s8], $0x5FFFF  }
0xad: {  	[dreg:$0x1] =	wrdreg $0xFFFFFFFF  }
0xae: {  	[dreg:$0x0] =	wrdreg $0x60  }
0xaf: {  	[dreg:$0x2] =	wrdreg s2  }
0xb0: {  	[dreg:$0x3] =	wrdreg s24  }
0xb1: {  	[dreg:$0x4] =	wrdreg s18  }
0xb2: {  	[dreg:$0x5] =	wrdreg $0x9  }
0xb3: {  	_ =	task.clear_ibuf [dreg:s8], $0x6FFFF;
	_ =	strace $0x90000046  }
0xb4: {  	s29 =	simm.s32 $0x9;
	_ =	strace $0x80000048  }
0xb5: {  	_ =	swait.ge [sflag:s29], $0x1  }
0xb6: {  	[sflag:s29] =	ssyncadd.s32 $0xFFFFFFFF  }
0xb7: {  	_ =	strace $0x90000048  }
0xb8: {  	_ =	sfence  }
0xb9: {  	s30 =	sld [smem:$0x0];
	_ =	sdelay $0x2  }
0xba: {  	s31 =	sshll.u32 s1, $0xD;
	s1 =	sshrl.u32 s1, $0x2  }
0xbb: {  	s3 =	sand.u32 $0x4000, s31;
	s1 =	sadd.s32 s1, s30  }
0xbc: {  	s0 =	sor.u32 s3, s0;
	s1 =	sshll.u32 s1, $0x11  }
0xbd: {  	s0 =	sor.u32 s1, s0  }
0xbe: {  	s0 =	sadd.s32 $0x8F2B, s0  }
0xbf: {  	[sflag:s0] =	ssyncadd.remote.s32 $0x1  }
0xc0: {  	_ =	sfence.sel $0xFFFF  }
0xc1: {  	[dreg:$0x0] =	wrdreg $0xFFFFFFFF;
	(pc) =	sbr.abs _section_cstart, $3  }
0xc2: {  	[dreg:$0x1] =	wrdreg $0xFFFFFFFF  }
0xc3: {  	_ =	task.clear_ibuf [dreg:s8], $0x2FFFF;
	_ =	strace $0x9FFFFFFF  }
0xc4: {  	(tm) =	ssettm $0x7FFFFFFF  }
0xc5: {  	_ =	shalt  }
tec
execute0_lowered:
.L_overlay_start_1:
0x0: {  	(tag) =	ssettag $0x1  }
0x1: {  	s6 =	rddreg [dreg:$0x0]  }
0x2: {  	s5 =	rddreg [dreg:$0x1]  }
0x3: {  	s2 =	rddreg [dreg:$0x2]  }
0x4: {  	s0 =	rddreg [dreg:$0x3]  }
0x5: {  	s3 =	simm.s32 $0x0;
	s4 =	srdreg.scid;
	s1 =	stileid.u32  }
0x6: {  	s11 =	simm.s32 $0x64;
	s12 =	simm.s32 $0xC000;
	s13 =	simm.s32 $0x12800  }
0x7: {  	s14 =	simm.s32 $0x80;
	s15 =	simm.s32 $0xF400;
	s16 =	simm.s32 $0x12880  }
0x8: {  	s17 =	simm.s32 $0x1;
	s18 =	simm.s32 $0x3;
	s19 =	simm.s32 $0x2  }
0x9: {  	s20 =	simm.s32 $0x4;
	s21 =	simm.s32 $0x12900;
	s22 =	simm.s32 $0x0  }
0xa: {  	[smem:$0x7FF] =	sst s3;
	s4 =	sand.u32 $0x1, s4;
	s7 =	sshll.u32 s1, $0x1  }
0xb: {  	_ =	strace $0x80000047;
	s7 =	sor.u32 s4, s7;
	s8 =	ssub.s32 $0x2, s4  }
0xc: {  	s4 =	sadd.s32 $0x20200, s5;
	s9 =	sshll.u32 s7, $0xC;
	s10 =	sshrl.u32 s8, $0x1  }
0xd: {  	s7 =	sshll.u32 s7, $0xB;
	s9 =	sadd.s32 s9, s5;
	s8 =	ssub.s32 s8, s10  }
0xe: {  	s6 =	sadd.s32 s6, s7;
	s10 =	simm.s32 $0x8000;
	s5 =	sadd.s32 $0x200, s9  }
0xf: {  	s7 =	sadd.s32 $0x3EC00, s9;
	s8 =	smax.u32 s8, $0x1;
	s9 =	simm.s32 $0x5  }
.LBB2_1:
0x10: {  	[tilespmem:s3], [sflag:$0x5] =	stream.linear.gather [hbm4b:s5+s3], $0x8000, $0x38;
	[tilespmem:$0x1A900] =	vst v63  }
0x11: {  	_ =	swait.ge [sflag:s9], $0x8000  }
0x12: {  	[sflag:s9] =	ssyncset.done $0x0  }
0x13: {  	[sflag:s9] =	ssyncadd.s32 $0xFFFF8000  }
0x14: {  	[tilespmem:s10], [sflag:$0x5] =	stream.linear.gather [hbm4b:s6+s3], $0x4000, $0x38;
	[tilespmem:$0x1A900] =	vst v63  }
0x15: {  	_ =	swait.ge [sflag:s9], $0x4000  }
0x16: {  	[sflag:s9] =	ssyncset.done $0x0  }
0x17: {  	[sflag:s9] =	ssyncadd.s32 $0xFFFFC000  }
0x18: {  	[tilespmem:s12], [sflag:$0x1] =	stream.indirect.gather [hbm4b:s2+s11], $0x80, s3, s11, $0xb8;
	[tilespmem:$0x1A900] =	vst v63  }
0x19: {  	_ = 	snop  }
0x1a: {  	[tilespmem:s13], [sflag:$0x3] =	stream.indirect.gather [hbm4b:s4+s11], $0x1, s3, s11, $0xb8;
	[tilespmem:$0x1A900] =	vst v63  }
0x1b: {  	_ = 	snop  }
0x1c: {  	[tilespmem:s15], [sflag:$0x2] =	stream.indirect.gather [hbm4b:s2+s11], $0x80, s14, s11, $0xb8;
	[tilespmem:$0x1A900] =	vst v63  }
0x1d: {  	_ = 	snop  }
0x1e: {  	[tilespmem:s16], [sflag:$0x4] =	stream.indirect.gather [hbm4b:s4+s11], $0x1, s14, s11, $0xb8;
	[tilespmem:$0x1A900] =	vst v63  }
0x1f: {  	_ =	swait.ge [sflag:s17], $0x3200  }
0x20: {  	[sflag:s17] =	ssyncset.done $0x0  }
0x21: {  	[sflag:s17] =	ssyncadd.s32 $0xFFFFCE00  }
0x22: {  	_ =	swait.ge [sflag:s18], $0x64  }
0x23: {  	[sflag:s18] =	ssyncset.done $0x0  }
0x24: {  	s23 =	simm.s32 $0x100;
	[sflag:s18] =	ssyncadd.s32 $0xFFFFFF9C  }
0x25: {  	[tilespmem:s12], [sflag:$0x1] =	stream.indirect.gather [hbm4b:s2+s11], $0x80, s23, s11, $0xb8;
	[tilespmem:$0x1A900] =	vst v63  }
0x26: {  	_ = 	snop  }
0x27: {  	[tilespmem:s13], [sflag:$0x3] =	stream.indirect.gather [hbm4b:s4+s11], $0x1, s23, s11, $0xb8;
	[tilespmem:$0x1A900] =	vst v63  }
0x28: {  	_ =	swait.ge [sflag:s19], $0x3200  }
0x29: {  	[sflag:s19] =	ssyncset.done $0x0  }
0x2a: {  	[sflag:s19] =	ssyncadd.s32 $0xFFFFCE00  }
0x2b: {  	_ =	swait.ge [sflag:s20], $0x64  }
0x2c: {  	[sflag:s20] =	ssyncset.done $0x0  }
0x2d: {  	s24 =	simm.s32 $0x180;
	s23 =	simm.s32 $0xFFFE0800;
	[sflag:s20] =	ssyncadd.s32 $0xFFFFFF9C  }
0x2e: {  	[tilespmem:s15], [sflag:$0x2] =	stream.indirect.gather [hbm4b:s2+s11], $0x80, s24, s11, $0xb8;
	[tilespmem:$0x1A900] =	vst v63  }
.LBB2_2:
0x2f: {  	[tilespmem:s16], [sflag:$0x4] =	stream.indirect.gather [hbm4b:s4+s11], $0x1, s24, s11, $0xb8;
	[tilespmem:$0x1A900] =	vst v63  }
0x30: {  	s24 =	smov.u32 s23  }
0x31: {  	p0 =	sne.s32 s23, $0xFFFFFC00;
	s23 =	sadd.s32 $0x400, s23;
	_ =	swait.ge [sflag:s17], $0x3200  }
0x32: {  	[sflag:s17] =	ssyncset.done $0x0  }
0x33: {  	[sflag:s17] =	ssyncadd.s32 $0xFFFFCE00  }
0x34: {  	_ =	swait.ge [sflag:s18], $0x64  }
0x35: {  	s24 =	sshra.s32 s24, $0x2;
	[sflag:s18] =	ssyncset.done $0x0  }
0x36: {  	s25 =	sadd.s32 $0x8000, s24;
	[sflag:s18] =	ssyncadd.s32 $0xFFFFFF9C  }
0x37: {  	[tilespmem:s12], [sflag:$0x1] =	stream.indirect.gather [hbm4b:s2+s11], $0x80, s25, s11, $0xb8;
	[tilespmem:$0x1A900] =	vst v63  }
0x38: {  	_ = 	snop  }
0x39: {  	[tilespmem:s13], [sflag:$0x3] =	stream.indirect.gather [hbm4b:s4+s11], $0x1, s25, s11, $0xb8;
	[tilespmem:$0x1A900] =	vst v63  }
0x3a: {  	_ =	swait.ge [sflag:s19], $0x3200  }
0x3b: {  	[sflag:s19] =	ssyncset.done $0x0  }
.Ltmp0:
0x3c: {  	[sflag:s19] =	ssyncadd.s32 $0xFFFFCE00;
	(pc) =	sbr.rel @p0 .LBB2_2-.Ltmp0, $4  }
0x3d: {  	_ =	swait.ge [sflag:s20], $0x64  }
0x3e: {  	[sflag:s20] =	ssyncset.done $0x0  }
0x3f: {  	s24 =	sadd.s32 $0x8080, s24;
	[sflag:s20] =	ssyncadd.s32 $0xFFFFFF9C  }
0x40: {  	[tilespmem:s15], [sflag:$0x2] =	stream.indirect.gather [hbm4b:s2+s11], $0x80, s24, s11, $0xb8;
	[tilespmem:$0x1A900] =	vst v63  }
0x41: {  	[tilespmem:s16], [sflag:$0x4] =	stream.indirect.gather [hbm4b:s4+s11], $0x1, s24, s11, $0xb8;
	[tilespmem:$0x1A900] =	vst v63  }
0x42: {  	_ =	swait.ge [sflag:s17], $0x3200  }
0x43: {  	[sflag:s17] =	ssyncset.done $0x0  }
0x44: {  	[sflag:s17] =	ssyncadd.s32 $0xFFFFCE00  }
0x45: {  	_ =	swait.ge [sflag:s18], $0x64  }
0x46: {  	[sflag:s18] =	ssyncset.done $0x0  }
0x47: {  	[sflag:s18] =	ssyncadd.s32 $0xFFFFFF9C  }
0x48: {  	_ =	swait.ge [sflag:s19], $0x3200  }
0x49: {  	[sflag:s19] =	ssyncset.done $0x0  }
0x4a: {  	[sflag:s19] =	ssyncadd.s32 $0xFFFFCE00  }
0x4b: {  	s22 =	sadd.s32 $0x1, s22;
	_ =	swait.ge [sflag:s20], $0x64  }
0x4c: {  	p0 =	sne.s32 s22, s8;
	[sflag:s20] =	ssyncset.done $0x0  }
.Ltmp1:
0x4d: {  	[sflag:s20] =	ssyncadd.s32 $0xFFFFFF9C;
	(pc) =	sbr.rel @p0 .LBB2_1-.Ltmp1, $4  }
0x4e: {  	[hbm4b:s7+s3] =	stream.linear.scatter [tilespmem:s21], [sflag:$0x5], $0x8000, $0x38;
	[tilespmem:$0x1A900] =	vst v63  }
0x4f: {  	_ =	swait.ge [sflag:s9], $0x8000  }
0x50: {  	[sflag:s9] =	ssyncset.done $0x0  }
0x51: {  	[sflag:s9] =	ssyncadd.s32 $0xFFFF8000  }
0x52: {  	_ =	sfence.sel $0x180000  }
0x53: {  	[bflag:$0x0] =	sbarrier.arrive $0xFFFF  }
0x54: {  	p0 =	sne.s32 s1, $0x0;
	_ =	strace $0x90000047  }
0x55: {  	s0 =	sadd.s32 @!p0 $0x100000, s0;
	[bflag:$0x2] =	sbarrier.arrive $0xFFFF  }
0x56: {  	[sflag:s0] =	ssyncadd.tile.s32 @!p0 $0x1;
	_ =	shalt  }
.Lfunc_end2:
_tile_overlayer_lowered:
.L_overlay_start_2:
0x57: {  	(tag) =	ssettag $0x2  }
0x58: {  	s0 =	rddreg [dreg:$0x0];
	s2 =	stileid.u32  }
0x59: {  	s1 =	rddreg [dreg:$0x1];
	p0 =	sne.s32 s2, $0x0  }
0x5a: {  	s3 =	rddreg [dreg:$0x2];
	[bflag:$0x3] =	sbarrier.arrive $0xFFFF;
	s2 =	simm.s32 @!p0 $0x1C05  }
0x5b: {  	[timem:s3], [sflag:s2] =	dma.local @!p0 [hbm:s0], s1  }
0x5c: {  	s0 =	simm.s32 @!p0 $0x5  }
0x5d: {  	_ =	swait.ge @!p0 [sflag:s0], s1  }
0x5e: {  	s1 =	ssub.s32 @!p0 $0x0, s1;
	[sflag:s0] =	ssyncset.done @!p0 $0x0  }
0x5f: {  	[sflag:s0] =	ssyncadd.s32 @!p0 s1  }
0x60: {  	[bflag:$0x3] =	sbarrier.arrive $0xFFFF  }
0x61: {  	_ =	shalt  }

</sc_bundles>
